<compile_context>
chip_gen: v7x
topology: tpu7x:2x2x1
jax: 0.10.2.dev20260603
libtpu: 0.0.44.dev20260713+nightly
codegen_flags: <defaults>
</compile_context>

<pallas_src>
import dataclasses

import jax
import jax.numpy as jnp
from jax import lax
from jax.experimental import pallas as pl
from jax.experimental.pallas import tpu as pltpu
from jax.experimental.pallas import tpu_sc as plsc

N = 10000
E = 320000
D = 128
NC = 2
NS = 16
NW = NC * NS
FPT = D // NW
VL = 16
ECHUNK = 8000
DCHUNK = 2000
R = N
G = N // R

_vmesh = plsc.VectorSubcoreMesh(core_axis_name="c", subcore_axis_name="s")

_sc_params = pltpu.CompilerParams()
if "needs_layout_passes" in pltpu.CompilerParams.__dataclass_fields__:
    _sc_params = dataclasses.replace(_sc_params, needs_layout_passes=False)



def _deg_body(col_hbm, ew_hbm, out_hbm, col_v, ew_v, deg_v):
    wid = lax.axis_index("s") * NC + lax.axis_index("c")

    @pl.loop(0, N, step=VL)
    def _zero(i):
        deg_v[pl.ds(i, VL)] = jnp.zeros((VL,), jnp.float32)

    epw = E // NW
    base = wid * epw

    @pl.loop(0, epw, step=DCHUNK)
    def _chunk(i):
        pltpu.sync_copy(col_hbm.at[pl.ds(base + i, DCHUNK)], col_v)
        pltpu.sync_copy(ew_hbm.at[pl.ds(base + i, DCHUNK)], ew_v)

        @plsc.parallel_loop(0, DCHUNK, step=VL, unroll=4)
        def _vec(j):
            c = col_v[pl.ds(j, VL)]
            w = ew_v[pl.ds(j, VL)]
            plsc.addupdate_scatter(deg_v, [c], w)

    pltpu.sync_copy(deg_v, out_hbm.at[wid])


@jax.jit
def _deg_partials(col, ew):
    k = pl.kernel(
        _deg_body,
        out_type=jax.ShapeDtypeStruct((NW, N), jnp.float32),
        mesh=_vmesh,
        compiler_params=_sc_params,
        scratch_types=[
            pltpu.VMEM((DCHUNK,), jnp.int32),
            pltpu.VMEM((DCHUNK,), jnp.float32),
            pltpu.VMEM((N,), jnp.float32),
        ],
    )
    return k(col, ew)



def _agg_body(ypT_hbm, pk_hbm, ew_hbm, out_hbm,
              yp0, yp1, a00, a01, a10, a11,
              pk0, ew0, pk1, ew1, sem0, sem1):
    wid = lax.axis_index("s") * NC + lax.axis_index("c")
    yps = (yp0, yp1)
    accs = (a00, a01, a10, a11)
    for g in range(2):
        pltpu.sync_copy(ypT_hbm.at[wid * 2 + g], yps[g])
    for f in range(4):
        @plsc.parallel_loop(0, N, step=VL, unroll=5)
        def _zero(i, f=f):
            accs[f][pl.ds(i, VL)] = jnp.zeros((VL,), jnp.float32)

    bufs = ((pk0, ew0, sem0), (pk1, ew1, sem1))
    nchunk = E // ECHUNK

    def start(slot, ci):
        p, w, s = bufs[slot]
        off = jnp.minimum(ci * ECHUNK, E - ECHUNK)
        pltpu.async_copy(pk_hbm.at[pl.ds(off, ECHUNK)], p, s)
        pltpu.async_copy(ew_hbm.at[pl.ds(off, ECHUNK)], w, s)

    def wait(slot):
        p, w, s = bufs[slot]
        pltpu.make_async_copy(pk_hbm.at[pl.ds(0, ECHUNK)], p, s).wait()
        pltpu.make_async_copy(ew_hbm.at[pl.ds(0, ECHUNK)], w, s).wait()

    def process(slot):
        p, w, _ = bufs[slot]

        @plsc.parallel_loop(0, ECHUNK, step=VL, unroll=5)
        def _vec(j):
            pp = p[pl.ds(j, VL)]
            ww = w[pl.ds(j, VL)]
            rr = lax.shift_right_logical(pp, jnp.int32(14))
            cc = lax.bitwise_and(pp, jnp.int32(0x3FFF))
            for g in range(2):
                wv = plsc.load_gather(yps[g], [rr])
                va = plsc.bitcast(lax.shift_left(wv, jnp.int32(16)),
                                  jnp.float32)
                vb = plsc.bitcast(lax.bitwise_and(wv, jnp.int32(-65536)),
                                  jnp.float32)
                plsc.addupdate_scatter(accs[2 * g], [cc], va * ww)
                plsc.addupdate_scatter(accs[2 * g + 1], [cc], vb * ww)

    start(0, 0)
    start(1, 1)

    @pl.loop(0, nchunk, step=2)
    def _outer(i):
        wait(0)
        process(0)
        start(0, i + 2)
        wait(1)
        process(1)
        start(1, i + 3)

    wait(0)
    wait(1)
    for g in range(2):
        pltpu.sync_copy(accs[2 * g], out_hbm.at[wid * 2 + g])
        pltpu.sync_copy(accs[2 * g + 1], out_hbm.at[wid * 2 + g + 64])


@jax.jit
def _agg(ypT, pk, ew):
    k = pl.kernel(
        _agg_body,
        out_type=jax.ShapeDtypeStruct((D, N), jnp.float32),
        mesh=_vmesh,
        compiler_params=_sc_params,
        scratch_types=(
            [pltpu.VMEM((N,), jnp.int32)] * 2
            + [pltpu.VMEM((N,), jnp.float32)] * 4
            + [
                pltpu.VMEM((ECHUNK,), jnp.int32),
                pltpu.VMEM((ECHUNK,), jnp.float32),
                pltpu.VMEM((ECHUNK,), jnp.int32),
                pltpu.VMEM((ECHUNK,), jnp.float32),
                pltpu.SemaphoreType.DMA,
                pltpu.SemaphoreType.DMA,
            ]
        ),
    )
    return k(ypT, pk, ew)



def _pack_body(ei_ref, o_ref):
    o_ref[...] = jnp.bitwise_or(
        jnp.left_shift(ei_ref[0:1, :], 14), ei_ref[1:2, :])


def _pack(ei):
    return pl.pallas_call(
        _pack_body,
        out_shape=jax.ShapeDtypeStruct((1, E), jnp.int32),
    )(ei).reshape(E)

def _mm_t_body(W_ref, x_ref, o_ref):
    o_ref[...] = lax.dot_general(
        W_ref[...], x_ref[...], (((0,), (1,)), ((), ())),
        preferred_element_type=jnp.float32)


def _mm_t(W, x):
    return pl.pallas_call(
        _mm_t_body,
        grid=(G,),
        in_specs=[
            pl.BlockSpec((D, D), lambda i: (0, 0)),
            pl.BlockSpec((R, D), lambda i: (i, 0)),
        ],
        out_specs=pl.BlockSpec((D, R), lambda i: (0, i)),
        out_shape=jax.ShapeDtypeStruct((D, N), jnp.float32),
    )(W, x)


def _packy(yT32):
    u = lax.bitcast_convert_type(yT32.astype(jnp.bfloat16), jnp.uint16)
    lo = u[:64].astype(jnp.uint32)
    hi = u[64:].astype(jnp.uint32)
    return lax.bitcast_convert_type(lo | (hi << 16), jnp.int32)


def _dis_y_body(degp_ref, xwT_ref, dis_ref, yT_ref, ypT_ref):
    deg = jnp.sum(degp_ref[...], axis=0, keepdims=True) + 1.0
    dis = jnp.where(deg > 0, lax.rsqrt(deg), 0.0)
    dis_ref[...] = dis
    yT = xwT_ref[...] * dis
    yT_ref[...] = yT
    ypT_ref[...] = _packy(yT)


def _dis_y(deg_part, xwT):
    return pl.pallas_call(
        _dis_y_body,
        grid=(G,),
        in_specs=[
            pl.BlockSpec((NW, R), lambda i: (0, i)),
            pl.BlockSpec((D, R), lambda i: (0, i)),
        ],
        out_specs=[
            pl.BlockSpec((1, R), lambda i: (0, i)),
            pl.BlockSpec((D, R), lambda i: (0, i)),
            pl.BlockSpec((D // 2, R), lambda i: (0, i)),
        ],
        out_shape=[
            jax.ShapeDtypeStruct((1, N), jnp.float32),
            jax.ShapeDtypeStruct((D, N), jnp.float32),
            jax.ShapeDtypeStruct((D // 2, N), jnp.int32),
        ],
    )(deg_part, xwT)


def _post_mm_body(aggT_ref, yT_ref, dis_ref, b_ref, a_ref, W_ref,
                  yT_out_ref, ypT_out_ref):
    dis = dis_ref[...]
    h = dis * (aggT_ref[...] + yT_ref[...]) + b_ref[...]
    h = jnp.where(h >= 0, h, a_ref[...] * h)
    xwT = lax.dot_general(
        W_ref[...], h, (((0,), (0,)), ((), ())),
        preferred_element_type=jnp.float32)
    yT = xwT * dis
    yT_out_ref[...] = yT
    ypT_out_ref[...] = _packy(yT)


def _post_mm(aggT, yT, dis2d, b, a, W):
    return pl.pallas_call(
        _post_mm_body,
        grid=(G,),
        in_specs=[
            pl.BlockSpec((D, R), lambda i: (0, i)),
            pl.BlockSpec((D, R), lambda i: (0, i)),
            pl.BlockSpec((1, R), lambda i: (0, i)),
            pl.BlockSpec((D, 1), lambda i: (0, 0)),
            pl.BlockSpec((D, 1), lambda i: (0, 0)),
            pl.BlockSpec((D, D), lambda i: (0, 0)),
        ],
        out_specs=[
            pl.BlockSpec((D, R), lambda i: (0, i)),
            pl.BlockSpec((D // 2, R), lambda i: (0, i)),
        ],
        out_shape=[
            jax.ShapeDtypeStruct((D, N), jnp.float32),
            jax.ShapeDtypeStruct((D // 2, N), jnp.int32),
        ],
    )(aggT, yT, dis2d, b, a, W)


def _final_body(aggT_ref, yT_ref, dis_ref, b_ref, a_ref, o_ref):
    h = dis_ref[...] * (aggT_ref[...] + yT_ref[...]) + b_ref[...]
    h = jnp.where(h >= 0, h, a_ref[...] * h)
    o_ref[...] = h.T


def _final(aggT, yT, dis2d, b, a):
    return pl.pallas_call(
        _final_body,
        grid=(G,),
        in_specs=[
            pl.BlockSpec((D, R), lambda i: (0, i)),
            pl.BlockSpec((D, R), lambda i: (0, i)),
            pl.BlockSpec((1, R), lambda i: (0, i)),
            pl.BlockSpec((D, 1), lambda i: (0, 0)),
            pl.BlockSpec((D, 1), lambda i: (0, 0)),
        ],
        out_specs=pl.BlockSpec((R, D), lambda i: (i, 0)),
        out_shape=jax.ShapeDtypeStruct((N, D), jnp.float32),
    )(aggT, yT, dis2d, b, a)



def kernel(x, edge_index, edge_weight, W1, b1, a1, W2, b2, a2, W3, b3, a3):
    col = edge_index[1]
    ew = edge_weight

    pk = _pack(edge_index)
    deg_part = _deg_partials(col, ew)
    xw1T = _mm_t(W1, x)
    dis2d, y1T, y1p = _dis_y(deg_part, xw1T)

    b1c, a1c = b1.reshape(D, 1), a1.reshape(D, 1)
    b2c, a2c = b2.reshape(D, 1), a2.reshape(D, 1)
    b3c, a3c = b3.reshape(D, 1), a3.reshape(D, 1)

    agg1T = _agg(y1p, pk, ew)
    y2T, y2p = _post_mm(agg1T, y1T, dis2d, b1c, a1c, W2)
    agg2T = _agg(y2p, pk, ew)
    y3T, y3p = _post_mm(agg2T, y2T, dis2d, b2c, a2c, W3)
    agg3T = _agg(y3p, pk, ew)
    return _final(agg3T, y3T, dis2d, b3c, a3c)

# --- scband reference (transcript-rebuilt; emitter-appended) ---
"""Pipeline reference for scband-encoder-43069932044748 (READ-ONLY COPY).

The authoritative reference and input builder live on the scoring server;
editing this copy changes nothing except your own understanding.
"""

import jax, jax.numpy as jnp
import numpy as np

N = 10000
E = 320000
D_IN = 128
D_H = 128


def setup_inputs(seed: int = 0) -> dict:
    key = jax.random.key(seed)
    ks = jax.random.split(key, 12)
    x = jax.random.normal(ks[0], (N, D_IN), dtype=jnp.float32)
    edge_index = jax.random.randint(ks[1], (2, E), 0, N, dtype=jnp.int32)
    edge_weight = jax.random.uniform(ks[2], (E,), dtype=jnp.float32)
    s_in = 1.0 / np.sqrt(D_IN)
    s_h = 1.0 / np.sqrt(D_H)
    W1 = jax.random.normal(ks[3], (D_IN, D_H), dtype=jnp.float32) * s_in
    b1 = jnp.zeros((D_H,), dtype=jnp.float32)
    a1 = jnp.full((D_H,), 0.25, dtype=jnp.float32)
    W2 = jax.random.normal(ks[4], (D_H, D_H), dtype=jnp.float32) * s_h
    b2 = jnp.zeros((D_H,), dtype=jnp.float32)
    a2 = jnp.full((D_H,), 0.25, dtype=jnp.float32)
    W3 = jax.random.normal(ks[5], (D_H, D_H), dtype=jnp.float32) * s_h
    b3 = jnp.zeros((D_H,), dtype=jnp.float32)
    a3 = jnp.full((D_H,), 0.25, dtype=jnp.float32)
    return {"x": x, "edge_index": edge_index, "edge_weight": edge_weight,
            "W1": W1, "b1": b1, "a1": a1,
            "W2": W2, "b2": b2, "a2": a2,
            "W3": W3, "b3": b3, "a3": a3}


def _gcn_layer(x, row, col, ew, W, b):
    # linear transform
    xw = x @ W
    # add self-loops with weight 1.0 (PyG gcn_norm, add_self_loops=True)
    loop = jnp.arange(N, dtype=row.dtype)
    row2 = jnp.concatenate([row, loop])
    col2 = jnp.concatenate([col, loop])
    ew2 = jnp.concatenate([ew, jnp.ones((N,), dtype=ew.dtype)])
    # symmetric normalization: deg computed at target (col) with edge weights
    deg = jax.ops.segment_sum(ew2, col2, num_segments=N)
    dis = jnp.where(deg > 0, deg ** -0.5, 0.0)
    norm = dis[row2] * ew2 * dis[col2]
    # message = norm * x_j (source), aggregate sum at target (col)
    msg = xw[row2] * norm[:, None]
    out = jax.ops.segment_sum(msg, col2, num_segments=N)
    return out + b


def _prelu(x, a):
    return jnp.where(x >= 0, x, a[None, :] * x)


def reference(x, edge_index, edge_weight, W1, b1, a1, W2, b2, a2, W3, b3, a3):
    row = edge_index[0]
    col = edge_index[1]
    h = _gcn_layer(x, row, col, edge_weight, W1, b1)
    h = _prelu(h, a1)
    h = _gcn_layer(h, row, col, edge_weight, W2, b2)
    h = _prelu(h, a2)
    h = _gcn_layer(h, row, col, edge_weight, W3, b3)
    h = _prelu(h, a3)
    return h

if __name__ == "__main__":
    import jax
    _d = setup_inputs()
    print(jax.jit(kernel)(*tuple(_d.values())))

</pallas_src>

<mosaic_0001>
#map = affine_map<(d0, d1) -> (0)>
#map1 = affine_map<(d0, d1) -> (0, 0)>
module attributes {stable_mosaic.version = 14 : i64} {
  func.func @_deg_body(%arg0: i32, %arg1: i32, %arg2: memref<320000xi32, #tpu.memory_space<hbm>>, %arg3: memref<320000xf32, #tpu.memory_space<hbm>>, %arg4: memref<32x10000xf32, #tpu.memory_space<hbm>>, %arg5: memref<2000xi32, #tpu.memory_space<vmem>>, %arg6: memref<2000xf32, #tpu.memory_space<vmem>>, %arg7: memref<10000xf32, #tpu.memory_space<vmem>>) attributes {dimension_semantics = [#tpu.dimension_semantics<core_parallel>, #tpu.dimension_semantics<subcore_parallel>], iteration_bounds = array<i64: 2, 16>, scalar_prefetch = 0 : i64, scratch_operands = 3 : i64, tpu.core_type = #tpu.core_type<sc_vector_subcore>, window_params = [{transform_indices = #map}, {transform_indices = #map}, {transform_indices = #map1}]} {
    %mul3A = arith.constant 2 : i32
    %mul3A_0 = arith.muli %arg1, %mul3A : i32
    %add3A = arith.addi %mul3A_0, %arg0 : i32
    %scan3A = arith.constant 0 : i32
    %scan3A_1 = arith.constant 625 : i32
    %scan3A_2 = arith.addi %scan3A, %scan3A_1 : i32
    %scan3A_3 = arith.constant 1 : i32
    scf.for %scan3A_12 = %scan3A to %scan3A_2 step %scan3A_3  : i32 {
      %mul3A_13 = arith.constant 16 : i32
      %mul3A_14 = arith.muli %scan3A_12, %mul3A_13 : i32
      %add3A_15 = arith.constant 0 : i32
      %add3A_16 = arith.addi %add3A_15, %mul3A_14 : i32
      %broadcast_in_dim3A = arith.constant 0.000000e+00 : f32
      %broadcast_in_dim3A_17 = vector.broadcast %broadcast_in_dim3A : f32 to vector<16xf32>
      %swap3A = arith.index_cast %add3A_16 : i32 to index
      %swap3A_18 = tpu.vector_load %arg7[%swap3A] {strides = array<i32>} : memref<10000xf32, #tpu.memory_space<vmem>>, vector<16xf32>,
      tpu.vector_store %arg7[%swap3A], %broadcast_in_dim3A_17 {strides = array<i32>} : memref<10000xf32, #tpu.memory_space<vmem>>, vector<16xf32>,
    }
    %scan3A_4 = arith.constant 625 : i32
    %mul3A_5 = arith.constant 10000 : i32
    %mul3A_6 = arith.muli %add3A, %mul3A_5 : i32
    %scan3A_7 = arith.constant 0 : i32
    %scan3A_8 = arith.constant 5 : i32
    %scan3A_9 = arith.addi %scan3A_7, %scan3A_8 : i32
    %scan3A_10 = arith.constant 1 : i32
    scf.for %scan3A_12 = %scan3A_7 to %scan3A_9 step %scan3A_10  : i32 {
      %mul3A_13 = arith.constant 2000 : i32
      %mul3A_14 = arith.muli %scan3A_12, %mul3A_13 : i32
      %add3A_15 = arith.constant 0 : i32
      %add3A_16 = arith.addi %add3A_15, %mul3A_14 : i32
      %add3A_17 = arith.addi %mul3A_6, %add3A_16 : i32
      "tpu.region"() ({
        %run_scoped3A = tpu.sem_alloc : memref<!tpu.dma_semaphore, #tpu.memory_space<semaphore_mem>>
        %dma_start3A = tpu.memref_slice %arg2[%add3A_17] : memref<320000xi32, #tpu.memory_space<hbm>> -> memref<2000xi32, #tpu.memory_space<hbm>>
        %dma_start3A_21 = tpu.memref_slice %arg2[%add3A_17] : memref<320000xi32, #tpu.memory_space<hbm>> -> memref<2000xi32, #tpu.memory_space<hbm>>
        tpu.enqueue_dma source(%dma_start3A_21 : memref<2000xi32, #tpu.memory_space<hbm>>) target(%arg5 : memref<2000xi32, #tpu.memory_space<vmem>>) target_semaphore(%run_scoped3A : memref<!tpu.dma_semaphore, #tpu.memory_space<semaphore_mem>>)
        %dma_wait3A = tpu.memref_slice %arg2[%add3A_17] : memref<320000xi32, #tpu.memory_space<hbm>> -> memref<2000xi32, #tpu.memory_space<hbm>>
        %dma_wait3A_22 = tpu.memref_slice %arg2[%add3A_17] : memref<320000xi32, #tpu.memory_space<hbm>> -> memref<2000xi32, #tpu.memory_space<hbm>>
        tpu.wait_dma2 semaphore(%run_scoped3A : memref<!tpu.dma_semaphore, #tpu.memory_space<semaphore_mem>>) src(%dma_wait3A_22 : memref<2000xi32, #tpu.memory_space<hbm>>) dst(%arg5 : memref<2000xi32, #tpu.memory_space<vmem>>)
        tpu.yield
      }) : () -> ()
      %add3A_18 = arith.addi %mul3A_6, %add3A_16 : i32
      "tpu.region"() ({
        %run_scoped3A = tpu.sem_alloc : memref<!tpu.dma_semaphore, #tpu.memory_space<semaphore_mem>>
        %dma_start3A = tpu.memref_slice %arg3[%add3A_18] : memref<320000xf32, #tpu.memory_space<hbm>> -> memref<2000xf32, #tpu.memory_space<hbm>>
        %dma_start3A_21 = tpu.memref_slice %arg3[%add3A_18] : memref<320000xf32, #tpu.memory_space<hbm>> -> memref<2000xf32, #tpu.memory_space<hbm>>
        tpu.enqueue_dma source(%dma_start3A_21 : memref<2000xf32, #tpu.memory_space<hbm>>) target(%arg6 : memref<2000xf32, #tpu.memory_space<vmem>>) target_semaphore(%run_scoped3A : memref<!tpu.dma_semaphore, #tpu.memory_space<semaphore_mem>>)
        %dma_wait3A = tpu.memref_slice %arg3[%add3A_18] : memref<320000xf32, #tpu.memory_space<hbm>> -> memref<2000xf32, #tpu.memory_space<hbm>>
        %dma_wait3A_22 = tpu.memref_slice %arg3[%add3A_18] : memref<320000xf32, #tpu.memory_space<hbm>> -> memref<2000xf32, #tpu.memory_space<hbm>>
        tpu.wait_dma2 semaphore(%run_scoped3A : memref<!tpu.dma_semaphore, #tpu.memory_space<semaphore_mem>>) src(%dma_wait3A_22 : memref<2000xf32, #tpu.memory_space<hbm>>) dst(%arg6 : memref<2000xf32, #tpu.memory_space<vmem>>)
        tpu.yield
      }) : () -> ()
      %parallel_loop3A = arith.constant 0 : i32
      %parallel_loop3A_19 = arith.constant 2000 : i32
      %parallel_loop3A_20 = arith.constant 16 : i32
      scf.for %parallel_loop3A_21 = %parallel_loop3A to %parallel_loop3A_19 step %parallel_loop3A_20  : i32 {
        %parallel_loop3A_22 = arith.index_cast %parallel_loop3A_21 : i32 to index
        %parallel_loop3A_23 = tpu.vector_load %arg5[%parallel_loop3A_22] {strides = array<i32>} : memref<2000xi32, #tpu.memory_space<vmem>>, vector<16xi32>,
        %parallel_loop3A_24 = arith.index_cast %parallel_loop3A_21 : i32 to index
        %parallel_loop3A_25 = tpu.vector_load %arg6[%parallel_loop3A_24] {strides = array<i32>} : memref<2000xf32, #tpu.memory_space<vmem>>, vector<16xf32>,
        tpu.vector_store_idx %arg7[%parallel_loop3A_23], %parallel_loop3A_25 {add = true} : memref<10000xf32, #tpu.memory_space<vmem>>[vector<16xi32>], vector<16xf32>,
      } {sc.loop_unroll_factor = 4 : i64, sc.parallel_access}
    }
    %scan3A_11 = arith.constant 5 : i32
    "tpu.region"() ({
      %run_scoped3A = tpu.sem_alloc : memref<!tpu.dma_semaphore, #tpu.memory_space<semaphore_mem>>
      %dma_start3A = arith.constant 0 : i32
      %dma_start3A_12 = tpu.memref_slice %arg4[%add3A, %dma_start3A] : memref<32x10000xf32, #tpu.memory_space<hbm>> -> memref<1x10000xf32, #tpu.memory_space<hbm>>
      %dma_start3A_13 = tpu.memref_squeeze %dma_start3A_12 : memref<1x10000xf32, #tpu.memory_space<hbm>> -> memref<10000xf32, #tpu.memory_space<hbm>>
      %dma_start3A_14 = arith.constant 0 : i32
      %dma_start3A_15 = tpu.memref_slice %arg4[%add3A, %dma_start3A_14] : memref<32x10000xf32, #tpu.memory_space<hbm>> -> memref<1x10000xf32, #tpu.memory_space<hbm>>
      %dma_start3A_16 = tpu.memref_squeeze %dma_start3A_15 : memref<1x10000xf32, #tpu.memory_space<hbm>> -> memref<10000xf32, #tpu.memory_space<hbm>>
      tpu.enqueue_dma source(%arg7 : memref<10000xf32, #tpu.memory_space<vmem>>) target(%dma_start3A_16 : memref<10000xf32, #tpu.memory_space<hbm>>) target_semaphore(%run_scoped3A : memref<!tpu.dma_semaphore, #tpu.memory_space<semaphore_mem>>)
      %dma_wait3A = arith.constant 0 : i32
      %dma_wait3A_17 = tpu.memref_slice %arg4[%add3A, %dma_wait3A] : memref<32x10000xf32, #tpu.memory_space<hbm>> -> memref<1x10000xf32, #tpu.memory_space<hbm>>
      %dma_wait3A_18 = tpu.memref_squeeze %dma_wait3A_17 : memref<1x10000xf32, #tpu.memory_space<hbm>> -> memref<10000xf32, #tpu.memory_space<hbm>>
      %dma_wait3A_19 = arith.constant 0 : i32
      %dma_wait3A_20 = tpu.memref_slice %arg4[%add3A, %dma_wait3A_19] : memref<32x10000xf32, #tpu.memory_space<hbm>> -> memref<1x10000xf32, #tpu.memory_space<hbm>>
      %dma_wait3A_21 = tpu.memref_squeeze %dma_wait3A_20 : memref<1x10000xf32, #tpu.memory_space<hbm>> -> memref<10000xf32, #tpu.memory_space<hbm>>
      tpu.wait_dma2 semaphore(%run_scoped3A : memref<!tpu.dma_semaphore, #tpu.memory_space<semaphore_mem>>) src(%arg7 : memref<10000xf32, #tpu.memory_space<vmem>>) dst(%dma_wait3A_21 : memref<10000xf32, #tpu.memory_space<hbm>>)
      tpu.yield
    }) : () -> ()
    return
  }
}

</mosaic_0001>

<sc_bundles>
// kernel: _deg_partials.3.cloned.1.call-start
scs
__scs_entry_jumppad:
0x0: {  	(pc) =	sbr.rel $0x88, $3  }
0x1: {  	(tag) =	ssettag $0x0;
	lr =	simm.s32 $0x1  }
0x2: {  	[smem:$0x3F9F] =	sst lr;
	_ =	strace $0xD0000000  }
0x3: {  	_ = 	snop  }
0x4: {  	_ = 	snop  }
0x5: {  	_ = 	snop  }
0x6: {  	_ = 	snop  }
0x7: {  	_ = 	snop  }
__scs_overlays_trampoline_lowered:
0x8: {  	[smem:$0x3FAE] =	sst s0  }
0x9: {  	[smem:$0x3FAF] =	sst s1  }
0xa: {  	[smem:$0x3FB0] =	sst s2  }
0xb: {  	[smem:$0x3FB1] =	sst s3  }
0xc: {  	[smem:$0x3FB2] =	sst s4  }
0xd: {  	[smem:$0x3FB3] =	sst s5  }
0xe: {  	[smem:$0x3FB4] =	sst s6  }
0xf: {  	[smem:$0x3FB5] =	sst s7  }
0x10: {  	[smem:$0x3FB6] =	sst s8  }
0x11: {  	[smem:$0x3FB7] =	sst s9;
	s0 =	simm.s32 @!p0 $0x0  }
0x12: {  	s1 =	sld [smem:$0x3F9D];
	s0 =	simm.s32 @p0 $0x1  }
0x13: {  	[smem:$0x3FB8] =	sst s0;
	s0 =	simm.s32 @!p1 $0x0  }
0x14: {  	s2 =	sld [smem:$0x3F9C];
	s0 =	simm.s32 @p1 $0x1  }
0x15: {  	[smem:$0x3FB9] =	sst s0;
	s0 =	simm.s32 @!p2 $0x0  }
0x16: {  	s3 =	sld [smem:$0x3FDB];
	s0 =	simm.s32 @p2 $0x1  }
0x17: {  	s4 =	simm.s32 $0x1BF5;
	[smem:$0x3FBB] =	sst s0  }
0x18: {  	s0 =	sld [smem:$0x3F9E];
	_ =	swait.ge [sflag:s4], $0x0  }
0x19: {  	s7 =	sld [smem:$0x3F9F]  }
0x1a: {  	s8 =	sadd.s32 $0xFFFFE003, lr  }
0x1b: {  	s9 =	sadd.s32 $0xFFFFFEF7, lr;
	s5 =	simm.s32 $0xFFFFFFFF;
	p2 =	slt.u32 s8, $0xFFFFF086  }
0x1c: {  	p1 =	slt.u32 s9, $0xF7A;
	s5 =	simm.s32 @!p2 $0x0  }
0x1d: {  	s5 =	simm.s32 @p1 $0x1;
	p0 =	seq.s32 s7, s2  }
0x1e: {  	s7 =	smul.u32 @!p0 $0xF7A, s2;
	p2 =	seq.s32 @!p0 s5, $0x0  }
0x1f: {  	s9 =	smul.u32 $0xF7A, s1;
	s8 =	simm.s32 @!p0 $0x1BF5;
	p2 =	por !p2, p0  }
0x20: {  	[sflag:s8] =	ssyncset.s32 @!p0 $0xFFFFF086;
	s6 =	sadd.s32 @!p0 s3, s7;
	s7 =	simm.s32 @!p0 $0x108  }
0x21: {  	s3 =	sadd.s32 s3, s9;
	s6 =	sadd.s32 @!p0 $0x88, s6;
	s7 =	simm.s32 @p2 $0x1082  }
0x22: {  	[simem:s7], [sflag:s8] =	dma.local @!p0 [hbm:s6], $0xF7A  }
0x23: {  	s9 =	sor.u32 $0xD0000000, s2;
	s6 =	simm.s32 $0x108;
	_ =	swait.ge @!p0 [sflag:s8], $0x0  }
0x24: {  	s3 =	sadd.s32 $0x88, s3;
	s6 =	simm.s32 @!p1 $0x1082;
	[sflag:s4] =	ssyncset.s32 $0xFFFFF086  }
0x25: {  	[simem:s6], [sflag:s4] =	dma.local [hbm:s3], $0xF7A  }
0x26: {  	[smem:$0x3F9F] =	sst s1;
	(tag) =	ssettag s2;
	_ =	strace s9  }
0x27: {  	s1 =	sld [smem:$0x3FAF]  }
0x28: {  	s2 =	sld [smem:$0x3FB0]  }
0x29: {  	s4 =	sld [smem:$0x3FB2]  }
0x2a: {  	p0 =	seq.s32 s5, $0x0;
	s5 =	sld [smem:$0x3FB3]  }
0x2b: {  	s6 =	sld [smem:$0x3FB4]  }
0x2c: {  	s7 =	sld [smem:$0x3FB5]  }
0x2d: {  	s3 =	simm.s32 $0x108;
	s8 =	sld [smem:$0x3FB6]  }
0x2e: {  	s3 =	simm.s32 @!p0 $0x1082;
	s9 =	sld [smem:$0x3FB7]  }
0x2f: {  	lr =	sadd.s32 s0, s3;
	s0 =	sld [smem:$0x3FAE]  }
0x30: {  	s3 =	sld [smem:$0x3FB1]  }
0x31: {  	[smem:$0x3FBA] =	sst s10  }
0x32: {  	s10 =	sld [smem:$0x3FB8];
	_ =	sdelay $0x3  }
0x33: {  	p0 =	seq.s32 s10, $0x1;
	s10 =	sld [smem:$0x3FBA];
	_ =	sdelay $0x3  }
0x34: {  	[smem:$0x3FBA] =	sst s10  }
0x35: {  	s10 =	sld [smem:$0x3FB9];
	_ =	sdelay $0x3  }
0x36: {  	p1 =	seq.s32 s10, $0x1;
	s10 =	sld [smem:$0x3FBA];
	_ =	sdelay $0x3  }
0x37: {  	[smem:$0x3FBA] =	sst s10  }
0x38: {  	s10 =	sld [smem:$0x3FBB]  }
0x39: {  	_ = 	snop;
	(pc) =	sbr.ind lr, $3  }
0x3a: {  	_ = 	snop  }
0x3b: {  	_ = 	snop  }
0x3c: {  	p2 =	seq.s32 s10, $0x1;
	s10 =	sld [smem:$0x3FBA]  }
0x3d: {  	_ =	shalt  }
0x3e: {  	_ =	shalt  }
0x3f: {  	_ =	shalt  }
0x40: {  	_ =	shalt  }
0x41: {  	_ =	shalt  }
0x42: {  	_ =	shalt  }
0x43: {  	_ =	shalt  }
0x44: {  	_ =	shalt  }
0x45: {  	_ =	shalt  }
0x46: {  	_ =	shalt  }
0x47: {  	_ =	shalt  }
0x48: {  	_ =	shalt  }
0x49: {  	_ =	shalt  }
0x4a: {  	_ =	shalt  }
0x4b: {  	_ =	shalt  }
0x4c: {  	_ =	shalt  }
0x4d: {  	_ =	shalt  }
0x4e: {  	_ =	shalt  }
0x4f: {  	_ =	shalt  }
0x50: {  	_ =	shalt  }
0x51: {  	_ =	shalt  }
0x52: {  	_ =	shalt  }
0x53: {  	_ =	shalt  }
0x54: {  	_ =	shalt  }
0x55: {  	_ =	shalt  }
0x56: {  	_ =	shalt  }
0x57: {  	_ =	shalt  }
0x58: {  	_ =	shalt  }
0x59: {  	_ =	shalt  }
0x5a: {  	_ =	shalt  }
0x5b: {  	_ =	shalt  }
0x5c: {  	_ =	shalt  }
0x5d: {  	_ =	shalt  }
0x5e: {  	_ =	shalt  }
0x5f: {  	_ =	shalt  }
0x60: {  	_ =	shalt  }
0x61: {  	_ =	shalt  }
0x62: {  	_ =	shalt  }
0x63: {  	_ =	shalt  }
0x64: {  	_ =	shalt  }
0x65: {  	_ =	shalt  }
0x66: {  	_ =	shalt  }
0x67: {  	_ =	shalt  }
0x68: {  	_ =	shalt  }
0x69: {  	_ =	shalt  }
0x6a: {  	_ =	shalt  }
0x6b: {  	_ =	shalt  }
0x6c: {  	_ =	shalt  }
0x6d: {  	_ =	shalt  }
0x6e: {  	_ =	shalt  }
0x6f: {  	_ =	shalt  }
0x70: {  	_ =	shalt  }
0x71: {  	_ =	shalt  }
0x72: {  	_ =	shalt  }
0x73: {  	_ =	shalt  }
0x74: {  	_ =	shalt  }
0x75: {  	_ =	shalt  }
0x76: {  	_ =	shalt  }
0x77: {  	_ =	shalt  }
0x78: {  	_ =	shalt  }
0x79: {  	_ =	shalt  }
0x7a: {  	_ =	shalt  }
0x7b: {  	_ =	shalt  }
0x7c: {  	_ =	shalt  }
0x7d: {  	_ =	shalt  }
0x7e: {  	_ =	shalt  }
0x7f: {  	_ =	shalt  }
0x80: {  	_ =	shalt  }
0x81: {  	_ =	shalt  }
0x82: {  	_ =	shalt  }
0x83: {  	_ =	shalt  }
0x84: {  	_ =	shalt  }
0x85: {  	_ =	shalt  }
0x86: {  	_ =	shalt  }
0x87: {  	_ =	shalt  }
.Lfunc_end0:
.L_simem_size_0:
called_computation_lowered:
.L_overlay_start_0:
0x88: {  	s2 =	sld [smem:$0x3FD9]  }
0x89: {  	s3 =	sld [smem:$0x3FFE];
	_ =	sdelay $0x1  }
0x8a: {  	s1 =	srdreg.scid  }
0x8b: {  	s0 =	sand.u32 $0x1, s1  }
0x8c: {  	s18 =	sshll.u32 s0, $0xA;
	s2 =	sadd.s32 s3, s2  }
0x8d: {  	s2 =	sadd.s32 s2, s18  }
0x8e: {  	[smem:$0x3FC6] =	sst s2  }
0x8f: {  	_ = 	snop  }
0x90: {  	s2 =	sld [smem:$0x3FC9]  }
0x91: {  	s19 =	sld [smem:$0x3FC8]  }
0x92: {  	s4 =	sld [smem:$0x3FD0];
	(tm) =	ssettm $0x1  }
0x93: {  	s5 =	sld [smem:$0x3FFB];
	_ =	sdelay $0x3  }
0x94: {  	_ =	strace s5  }
0x95: {  	s5 =	sld [smem:$0x3FFC];
	_ =	sdelay $0x3  }
0x96: {  	_ =	strace s5  }
0x97: {  	s5 =	sld [smem:$0x3FFD];
	_ =	sdelay $0x3  }
0x98: {  	_ =	strace s5  }
0x99: {  	_ =	strace $0x8FFFFFFF  }
0x9a: {  	s20 =	sld [smem:$0x3FDB];
	_ =	sdelay $0x1  }
0x9b: {  	s6 =	simm.s32 $_scs_section_size  }
0x9c: {  	s7 =	simm.s32 $_size__tile_overlayer_lowered;
	s8 =	simm.s32 $_tile_overlayer_lowered  }
0x9d: {  	s23 =	simm.s32 $0x1BFF;
	s22 =	sshll.u32 s8, $0x1;
	s5 =	sadd.s32 s6, s20  }
0x9e: {  	s9 =	simm.s32 $0x0;
	s21 =	sshll.u32 s7, $0x1;
	s7 =	sadd.s32 s22, s5  }
0x9f: {  	[timem:s9], [sflag:s23] =	dma.local [hbm:s7], s21  }
0xa0: {  	_ =	swait.ge [sflag:s23], s21  }
0xa1: {  	s6 =	ssub.s32 $0x0, s21;
	[sflag:s23] =	ssyncset.done $0x0  }
0xa2: {  	[sflag:s23] =	ssyncadd.s32 s6;
	_ =	sdelay $0x1  }
0xa3: {  	s24 =	simm.s32 $0x1B8B  }
0xa4: {  	_ =	swait.ge [sflag:s24], $0x1  }
0xa5: {  	[sflag:s24] =	ssyncset.done $0x0  }
0xa6: {  	s25 =	simm.s32 $0x1B8E;
	[sflag:s24] =	ssyncadd.s32 $0xFFFFFFFF  }
0xa7: {  	s26 =	simm.s32 $execute0_lowered;
	[smem:$0x3FD2] =	sst s25  }
0xa8: {  	s6 =	sshll.u32 s26, $0x1;
	_ =	strace $0x80000046;
	[dreg:$0x1] =	wrdreg $0xFFFFFFFF  }
0xa9: {  	s28 =	simm.s32 $_size_execute0_lowered;
	s5 =	sadd.s32 s5, s6;
	[dreg:$0x0] =	wrdreg $0x0  }
0xaa: {  	s6 =	sshll.u32 s28, $0x1;
	[dreg:$0x2] =	wrdreg s5  }
0xab: {  	[dreg:$0x3] =	wrdreg s6  }
0xac: {  	[dreg:$0x4] =	wrdreg $0xC0  }
0xad: {  	_ =	task [dreg:s9], $0x5FFFF  }
0xae: {  	[dreg:$0x1] =	wrdreg $0xFFFFFFFF  }
0xaf: {  	[dreg:$0x0] =	wrdreg $0x60  }
0xb0: {  	[dreg:$0x2] =	wrdreg s2  }
0xb1: {  	[dreg:$0x3] =	wrdreg s19  }
0xb2: {  	[dreg:$0x4] =	wrdreg s4  }
0xb3: {  	[dreg:$0x5] =	wrdreg $0x9  }
0xb4: {  	_ =	task.clear_ibuf [dreg:s9], $0x6FFFF;
	_ =	strace $0x90000046  }
0xb5: {  	s29 =	simm.s32 $0x9;
	_ =	strace $0x80000048  }
0xb6: {  	_ =	swait.ge [sflag:s29], $0x1  }
0xb7: {  	[sflag:s29] =	ssyncadd.s32 $0xFFFFFFFF  }
0xb8: {  	_ =	strace $0x90000048  }
0xb9: {  	_ =	sfence  }
0xba: {  	s30 =	sld [smem:$0x0];
	_ =	sdelay $0x2  }
0xbb: {  	s31 =	sshll.u32 s1, $0xD;
	s1 =	sshrl.u32 s1, $0x2  }
0xbc: {  	s3 =	sand.u32 $0x4000, s31;
	s1 =	sadd.s32 s1, s30  }
0xbd: {  	s0 =	sor.u32 s3, s0;
	s1 =	sshll.u32 s1, $0x11  }
0xbe: {  	s0 =	sor.u32 s1, s0  }
0xbf: {  	s0 =	sadd.s32 $0x8F2B, s0  }
0xc0: {  	[sflag:s0] =	ssyncadd.remote.s32 $0x1  }
0xc1: {  	_ =	sfence.sel $0xFFFF  }
0xc2: {  	[dreg:$0x0] =	wrdreg $0xFFFFFFFF;
	(pc) =	sbr.abs _section_cstart, $3  }
0xc3: {  	[dreg:$0x1] =	wrdreg $0xFFFFFFFF  }
0xc4: {  	_ =	task.clear_ibuf [dreg:s9], $0x2FFFF;
	_ =	strace $0x9FFFFFFF  }
0xc5: {  	(tm) =	ssettm $0x7FFFFFFF  }
tec
execute0_lowered:
.L_overlay_start_1:
0x0: {  	(tag) =	ssettag $0x1  }
0x1: {  	s1 =	rddreg [dreg:$0x0]  }
0x2: {  	s2 =	srdreg.scid;
	s3 =	rddreg [dreg:$0x1]  }
0x3: {  	s0 =	stileid.u32;
	s6 =	rddreg [dreg:$0x2];
	s11 =	simm.s32 $0x80  }
0x4: {  	s12 =	simm.s32 $0x400;
	s13 =	simm.s32 $0x0;
	s5 =	sand.u32 $0x1, s2  }
0x5: {  	s30 =	sshll.u32 s0, $0x1;
	s4 =	sshrl.u32 s0, $0x2;
	s2 =	rddreg [dreg:$0x3]  }
0x6: {  	s7 =	sor.u32 s5, s30;
	s8 =	smul.u32 $0x13C00, s4;
	s4 =	simm.s32 $0x0  }
0x7: {  	s5 =	ssub.s32 $0x2, s5;
	s9 =	sshll.u32 s7, $0x7;
	[smem:$0x7FF] =	sst s4  }
0x8: {  	s10 =	sshrl.u32 s5, $0x1;
	s9 =	sand.u32 $0x380, s9;
	_ =	strace $0x80000047  }
0x9: {  	s31 =	ssub.s32 s5, s10;
	s5 =	smul.u32 $0x2710, s7;
	s8 =	sor.u32 s8, s9  }
0xa: {  	s10 =	simm.s32 $0x1000;
	s7 =	smax.u32 s31, $0x1;
	s8 =	sshrl.u32 s8, $0x3  }
0xb: {  	v0 =	vimm.f32 $0.0e+00;
	s9 =	simm.s32 $0x800;
	s6 =	sadd.s32 s6, s8;
	s8 =	simm.s32 $0x1  }
.LBB2_1:
0xc: {  	s14 =	simm.s32 $0x0  }
.LBB2_2:
0xd: {  	p0 =	sne.s32 s14, $0x9C00  }
.Ltmp0:
0xe: {  	_ = 	snop;
	(pc) =	sbr.rel @p0 .LBB2_2-.Ltmp0, $3  }
0xf: {  	_ =	sdelay $0x1  }
0x10: {  	s15 =	sshra.s32 s14, $0x2  }
0x11: {  	s14 =	sadd.s32 $0x40, s14;
	[tilespmem:s15+$0x1000] =	vst v0  }
0x12: {  	s14 =	simm.s32 $0x0  }
.LBB2_4:
0x13: {  	s15 =	smul.u32 $0x7D0, s14;
	_ =	sdelay $0x1  }
0x14: {  	s15 =	sadd.s32 s5, s15  }
0x15: {  	s15 =	sshrl.u32 s15, $0x3  }
0x16: {  	s16 =	sadd.s32 s1, s15  }
0x17: {  	[tilespmem:s4], [sflag:$0x1] =	stream.linear.gather [hbm4b:s16+s4], $0x7D0, $0x38;
	[tilespmem:$0x3780] =	vst v63  }
0x18: {  	_ =	swait.ge [sflag:s8], $0x7D0  }
0x19: {  	[sflag:s8] =	ssyncset.done $0x0  }
0x1a: {  	s15 =	sadd.s32 s3, s15;
	[sflag:s8] =	ssyncadd.s32 $0xFFFFF830  }
0x1b: {  	[tilespmem:s9], [sflag:$0x1] =	stream.linear.gather [hbm4b:s15+s4], $0x7D0, $0x38;
	[tilespmem:$0x3780] =	vst v63  }
0x1c: {  	_ =	swait.ge [sflag:s8], $0x7D0  }
0x1d: {  	[sflag:s8] =	ssyncset.done $0x0  }
0x1e: {  	s31 =	simm.s32 $0x20;
	[sflag:s8] =	ssyncadd.s32 $0xFFFFF830  }
0x1f: {  	v5 =	vld [tilespmem:s31+$0x10]  }
0x20: {  	v6 =	vld [tilespmem:s31+$0xFFFFFFF0]  }
0x21: {  	s15 =	simm.s32 $0x820;
	v1 =	vld [tilespmem:s31+$0x0]  }
0x22: {  	v7 =	vld [tilespmem:s15+$0x10]  }
0x23: {  	v8 =	vld [tilespmem:s15+$0xFFFFFFF0]  }
0x24: {  	v4 =	vld [tilespmem:s15+$0x0]  }
0x25: {  	v2 =	vld [tilespmem:s31+$0xFFFFFFE0]  }
0x26: {  	v3 =	vld [tilespmem:s15+$0xFFFFFFE0]  }
0x27: {  	[tilespmem:v5+s10+$0x0] =	vst.idx.add.f32.msk $0xffff, v7  }
0x28: {  	s17 =	simm.s32 $0x60;
	s16 =	simm.s32 $0x0;
	[tilespmem:v6+s10+$0x0] =	vst.idx.add.f32.msk $0xffff, v8  }
.LBB2_5:
0x29: {  	v5 =	vld [tilespmem:s17+$0x10];
	s16 =	sadd.s32 $0x40, s16;
	v6 =	vmov v4  }
0x2a: {  	v7 =	vld [tilespmem:s17+$0xFFFFFFF0];
	p0 =	slt.u32 s16, $0x780  }
0x2b: {  	s15 =	sadd.s32 $0x40, s15;
	v8 =	vld [tilespmem:s17+$0x0]  }
0x2c: {  	v9 =	vld [tilespmem:s15+$0x10]  }
0x2d: {  	v10 =	vld [tilespmem:s17+$0xFFFFFFE0]  }
0x2e: {  	v11 =	vld [tilespmem:s15+$0xFFFFFFE0]  }
0x2f: {  	v12 =	vld [tilespmem:s15+$0xFFFFFFF0]  }
.Ltmp1:
0x30: {  	v4 =	vld [tilespmem:s15+$0x0];
	(pc) =	sbr.rel @p0 .LBB2_5-.Ltmp1, $4  }
0x31: {  	[tilespmem:v5+s10+$0x0] =	vst.idx.add.f32.msk $0xffff, v9  }
0x32: {  	[tilespmem:v2+s10+$0x0] =	vst.idx.add.f32.msk $0xffff, v3;
	v2 =	vmov v10  }
0x33: {  	[tilespmem:v1+s10+$0x0] =	vst.idx.add.f32.msk $0xffff, v6;
	v1 =	vmov v8;
	v3 =	vmov v11  }
0x34: {  	s17 =	sadd.s32 $0x40, s17;
	[tilespmem:v7+s10+$0x0] =	vst.idx.add.f32.msk $0xffff, v12  }
0x35: {  	_ =	sdelay $0x3  }
0x36: {  	[tilespmem:v2+s10+$0x0] =	vst.idx.add.f32.msk $0xffff, v3  }
0x37: {  	[tilespmem:v1+s10+$0x0] =	vst.idx.add.f32.msk $0xffff, v4  }
0x38: {  	v1 =	vld [tilespmem:$0x7C0];
	_ =	sdelay $0x1  }
0x39: {  	s14 =	sadd.s32 $0x1, s14  }
0x3a: {  	v2 =	vld [tilespmem:$0xFC0];
	p0 =	sne.s32 s14, $0x5  }
.Ltmp2:
0x3b: {  	_ = 	snop;
	(pc) =	sbr.rel @p0 .LBB2_4-.Ltmp2, $2  }
0x3c: {  	_ =	sdelay $0x2  }
0x3d: {  	[tilespmem:v1+s10+$0x0] =	vst.idx.add.f32.msk $0xffff, v2  }
0x3e: {  	s13 =	sadd.s32 $0x1, s13  }
0x3f: {  	p0 =	sne.s32 s13, s7  }
.Ltmp3:
0x40: {  	_ = 	snop;
	(pc) =	sbr.rel @p0 .LBB2_1-.Ltmp3, $4  }
0x41: {  	[hbm4b:s6+s11] =	stream.strided.scatter [tilespmem:s10], [sflag:$0x1], $0x2780, s12, s11, $0x38;
	[tilespmem:$0x3780] =	vst v63  }
0x42: {  	_ =	swait.ge [sflag:s8], $0x2780  }
0x43: {  	[sflag:s8] =	ssyncset.done $0x0  }
0x44: {  	[sflag:s8] =	ssyncadd.s32 $0xFFFFD880  }
0x45: {  	_ =	sfence.sel $0x180000  }
0x46: {  	[bflag:$0x0] =	sbarrier.arrive $0xFFFF  }
0x47: {  	p0 =	sne.s32 s0, $0x0;
	_ =	strace $0x90000047  }
0x48: {  	s0 =	sadd.s32 @!p0 $0x100000, s2;
	[bflag:$0x2] =	sbarrier.arrive $0xFFFF  }
0x49: {  	[sflag:s0] =	ssyncadd.tile.s32 @!p0 $0x1;
	_ =	shalt  }
.Lfunc_end2:
_tile_overlayer_lowered:
.L_overlay_start_2:
0x4a: {  	(tag) =	ssettag $0x2  }
0x4b: {  	s0 =	rddreg [dreg:$0x0];
	s2 =	stileid.u32  }
0x4c: {  	s1 =	rddreg [dreg:$0x1];
	p0 =	sne.s32 s2, $0x0  }
0x4d: {  	s3 =	rddreg [dreg:$0x2];
	[bflag:$0x3] =	sbarrier.arrive $0xFFFF;
	s2 =	simm.s32 @!p0 $0x1C01  }
0x4e: {  	[timem:s3], [sflag:s2] =	dma.local @!p0 [hbm:s0], s1  }
0x4f: {  	s0 =	simm.s32 @!p0 $0x1  }
0x50: {  	_ =	swait.ge @!p0 [sflag:s0], s1  }
0x51: {  	s1 =	ssub.s32 @!p0 $0x0, s1;
	[sflag:s0] =	ssyncset.done @!p0 $0x0  }
0x52: {  	[sflag:s0] =	ssyncadd.s32 @!p0 s1  }
0x53: {  	[bflag:$0x3] =	sbarrier.arrive $0xFFFF  }
0x54: {  	_ =	shalt  }

</sc_bundles>
